<compile_context>
chip_gen: v7x
topology: tpu7x:2x2x1
jax: 0.10.2.dev20260603
libtpu: 0.0.44.dev20260713+nightly
codegen_flags: <defaults>
</compile_context>

<pallas_src>
import functools

import jax
import jax.numpy as jnp
from jax import lax
from jax.experimental import pallas as pl
from jax.experimental.pallas import tpu as pltpu
from jax.experimental.pallas import tpu_sc as plsc

N_NODES = 10000
N_EDGES = 320000
D = 128
NC = 2
NS = 16
NW = NC * NS
CPT = D // NW
FLAT = N_NODES * CPT
K = 8000
NECH = N_EDGES // K
G = K // 16


def _sc_colsum(emb_cols, pk2, vals2):
    mesh = plsc.VectorSubcoreMesh(
        core_axis_name="c", subcore_axis_name="s", num_cores=NC, num_subcores=NS
    )

    @functools.partial(
        pl.kernel,
        out_type=jax.ShapeDtypeStruct((NW, FLAT), jnp.float32),
        mesh=mesh,
        compiler_params=pltpu.CompilerParams(needs_layout_passes=False),
        scratch_types=[
            pltpu.VMEM((FLAT,), jnp.float32),
            pltpu.VMEM((FLAT,), jnp.float32),
            pltpu.VMEM((K,), jnp.int32),
            pltpu.VMEM((K,), jnp.int32),
            pltpu.VMEM((K,), jnp.float32),
            pltpu.VMEM((K,), jnp.float32),
            pltpu.SemaphoreType.DMA,
            pltpu.SemaphoreType.DMA,
            pltpu.SemaphoreType.DMA,
        ],
    )
    def body(emb_hbm, pk_hbm, vals_hbm, out_hbm,
             emb_v, acc_v, pk0, pk1, vb0, vb1, esem, ssem0, ssem1):
        cid = lax.axis_index("c")
        sid = lax.axis_index("s")
        wid = sid * NC + cid

        d_emb = pltpu.async_copy(emb_hbm.at[wid], emb_v, esem)

        zeros16 = jnp.zeros((16,), jnp.float32)

        @plsc.parallel_loop(0, FLAT // 16, unroll=8)
        def _zero(i):
            acc_v[pl.ds(i * 16, 16)] = zeros16

        pks = (pk0, pk1)
        vbs = (vb0, vb1)
        ssems = (ssem0, ssem1)

        def fire(k, b):
            pltpu.async_copy(pk_hbm.at[k], pks[b], ssems[b])
            pltpu.async_copy(vals_hbm.at[k], vbs[b], ssems[b])

        def swait(k, b):
            pltpu.make_async_copy(pk_hbm.at[k], pks[b], ssems[b]).wait()
            pltpu.make_async_copy(vals_hbm.at[k], vbs[b], ssems[b]).wait()

        fire(0, 0)
        d_emb.wait()

        def process(k, b):
            pk = pks[b]
            vb = vbs[b]

            @plsc.parallel_loop(0, G, unroll=1)
            def _groups(g):
                cv = pk[pl.ds(g * 16, 16)]
                vv = vb[pl.ds(g * 16, 16)]
                sv = lax.shift_right_logical(cv, 14)
                dv = lax.bitwise_and(cv, 16383)
                for c in range(CPT):
                    x = plsc.load_gather(emb_v, [sv + c * N_NODES])
                    plsc.addupdate_scatter(acc_v, [dv + c * N_NODES], x * vv)

        def outer(o, carry):
            for b in range(2):
                k = 2 * o + b
                swait(k, b)

                @pl.when(k + 1 < NECH)
                def _fire_next():
                    fire(k + 1, 1 - b)

                process(k, b)
            return carry

        lax.fori_loop(0, NECH // 2, outer, 0)

        pltpu.sync_copy(acc_v, out_hbm.at[wid])

    return body(emb_cols, pk2, vals2)


def kernel(users_emb, items_emb, edge_index, edge_vals):
    num_user = users_emb.shape[0]
    ucols = jnp.transpose(users_emb.reshape(num_user, NW, CPT), (1, 2, 0))
    icols = jnp.transpose(
        items_emb.reshape(N_NODES - num_user, NW, CPT), (1, 2, 0)
    )
    emb_cols = jnp.concatenate([ucols, icols], axis=2).reshape(NW, FLAT)
    dst = edge_index[0].astype(jnp.int32)
    src = edge_index[1].astype(jnp.int32)
    pk2 = (src * 16384 + dst).reshape(NECH, K)
    vals2 = edge_vals.reshape(NECH, K)
    out32 = _sc_colsum(emb_cols, pk2, vals2).reshape(NW, CPT, N_NODES)
    h_u = jnp.transpose(out32[:, :, :num_user], (2, 0, 1)).reshape(num_user, D)
    h_i = jnp.transpose(out32[:, :, num_user:], (2, 0, 1)).reshape(
        N_NODES - num_user, D
    )
    return (h_u, h_i)

# --- scband reference (transcript-rebuilt; emitter-appended) ---
"""Pipeline reference for scband-light-gcn-layer-23493471109149 (READ-ONLY COPY).

The authoritative reference and input builder live on the scoring server;
editing this copy changes nothing except your own understanding.
"""

import jax, jax.numpy as jnp
import numpy as np

NUM_USER = 5000
NUM_ITEM = 5000
NUM_NODES = NUM_USER + NUM_ITEM
NUM_EDGES = 320000
LATENT_DIM = 128

def setup_inputs(seed: int = 0) -> dict:
    key = jax.random.key(seed)
    k1, k2, k3, k4 = jax.random.split(key, 4)
    users_emb = jax.random.normal(k1, (NUM_USER, LATENT_DIM), dtype=jnp.float32)
    items_emb = jax.random.normal(k2, (NUM_ITEM, LATENT_DIM), dtype=jnp.float32)
    # sparse normalized adjacency in COO form: graph[dst, src] = edge_vals
    edge_index = jax.random.randint(k3, (2, NUM_EDGES), 0, NUM_NODES, dtype=jnp.int64)
    edge_vals = jax.random.uniform(k4, (NUM_EDGES,), dtype=jnp.float32)
    return {"users_emb": users_emb, "items_emb": items_emb, "edge_index": edge_index, "edge_vals": edge_vals}

def reference(users_emb, items_emb, edge_index, edge_vals):
    # all_emb = cat([users_emb, items_emb]); all_emb = sparse.mm(graph, all_emb)
    num_user = users_emb.shape[0]
    all_emb = jnp.concatenate([users_emb, items_emb], axis=0)
    dst = edge_index[0]
    src = edge_index[1]
    gathered = jnp.take(all_emb, src, axis=0) * edge_vals[:, None]
    out = jax.ops.segment_sum(gathered, dst, num_segments=NUM_NODES)
    # activation=False, non_linear=False -> identity after spmm
    h_u2 = out[:num_user]
    h_i2 = out[num_user:]
    return (h_u2, h_i2)

if __name__ == "__main__":
    import jax
    _d = setup_inputs()
    print(jax.jit(kernel)(*tuple(_d.values())))

</pallas_src>

<mosaic_0001>
#map = affine_map<(d0, d1) -> (0, 0)>
module attributes {stable_mosaic.version = 14 : i64} {
  func.func @body(%arg0: i32, %arg1: i32, %arg2: memref<32x40000xf32, #tpu.memory_space<hbm>>, %arg3: memref<40x8000xi32, #tpu.memory_space<hbm>>, %arg4: memref<40x8000xf32, #tpu.memory_space<hbm>>, %arg5: memref<32x40000xf32, #tpu.memory_space<hbm>>, %arg6: memref<40000xf32, #tpu.memory_space<vmem>>, %arg7: memref<40000xf32, #tpu.memory_space<vmem>>, %arg8: memref<8000xi32, #tpu.memory_space<vmem>>, %arg9: memref<8000xi32, #tpu.memory_space<vmem>>, %arg10: memref<8000xf32, #tpu.memory_space<vmem>>, %arg11: memref<8000xf32, #tpu.memory_space<vmem>>, %arg12: memref<!tpu.dma_semaphore, #tpu.memory_space<semaphore_mem>>, %arg13: memref<!tpu.dma_semaphore, #tpu.memory_space<semaphore_mem>>, %arg14: memref<!tpu.dma_semaphore, #tpu.memory_space<semaphore_mem>>) attributes {dimension_semantics = [#tpu.dimension_semantics<core_parallel>, #tpu.dimension_semantics<subcore_parallel>], iteration_bounds = array<i64: 2, 16>, scalar_prefetch = 0 : i64, scratch_operands = 9 : i64, tpu.core_type = #tpu.core_type<sc_vector_subcore>, window_params = [{transform_indices = #map}, {transform_indices = #map}, {transform_indices = #map}, {transform_indices = #map}]} {
    %mul3A = arith.constant 2 : i32
    %mul3A_0 = arith.muli %arg1, %mul3A : i32
    %add3A = arith.addi %mul3A_0, %arg0 : i32
    %dma_start3A = arith.constant 0 : i32
    %dma_start3A_1 = tpu.memref_slice %arg2[%add3A, %dma_start3A] : memref<32x40000xf32, #tpu.memory_space<hbm>> -> memref<1x40000xf32, #tpu.memory_space<hbm>>
    %dma_start3A_2 = tpu.memref_squeeze %dma_start3A_1 : memref<1x40000xf32, #tpu.memory_space<hbm>> -> memref<40000xf32, #tpu.memory_space<hbm>>
    %dma_start3A_3 = arith.constant 0 : i32
    %dma_start3A_4 = tpu.memref_slice %arg2[%add3A, %dma_start3A_3] : memref<32x40000xf32, #tpu.memory_space<hbm>> -> memref<1x40000xf32, #tpu.memory_space<hbm>>
    %dma_start3A_5 = tpu.memref_squeeze %dma_start3A_4 : memref<1x40000xf32, #tpu.memory_space<hbm>> -> memref<40000xf32, #tpu.memory_space<hbm>>
    tpu.enqueue_dma source(%dma_start3A_5 : memref<40000xf32, #tpu.memory_space<hbm>>) target(%arg6 : memref<40000xf32, #tpu.memory_space<vmem>>) target_semaphore(%arg12 : memref<!tpu.dma_semaphore, #tpu.memory_space<semaphore_mem>>)
    %broadcast_in_dim3A = arith.constant 0.000000e+00 : f32
    %broadcast_in_dim3A_6 = vector.broadcast %broadcast_in_dim3A : f32 to vector<16xf32>
    %parallel_loop3A = arith.constant 0 : i32
    %parallel_loop3A_7 = arith.constant 2500 : i32
    %parallel_loop3A_8 = arith.constant 1 : i32
    scf.for %parallel_loop3A_33 = %parallel_loop3A to %parallel_loop3A_7 step %parallel_loop3A_8  : i32 {
      %parallel_loop3A_34 = arith.constant 16 : i32
      %parallel_loop3A_35 = arith.muli %parallel_loop3A_33, %parallel_loop3A_34 : i32
      %parallel_loop3A_36 = arith.index_cast %parallel_loop3A_35 : i32 to index
      %parallel_loop3A_37 = tpu.vector_load %arg7[%parallel_loop3A_36] {strides = array<i32>} : memref<40000xf32, #tpu.memory_space<vmem>>, vector<16xf32>,
      tpu.vector_store %arg7[%parallel_loop3A_36], %broadcast_in_dim3A_6 {strides = array<i32>} : memref<40000xf32, #tpu.memory_space<vmem>>, vector<16xf32>,
    } {sc.loop_unroll_factor = 8 : i64, sc.parallel_access}
    %dma_start3A_9 = arith.constant 0 : i32
    %dma_start3A_10 = arith.constant 0 : i32
    %dma_start3A_11 = tpu.memref_slice %arg3[%dma_start3A_9, %dma_start3A_10] : memref<40x8000xi32, #tpu.memory_space<hbm>> -> memref<1x8000xi32, #tpu.memory_space<hbm>>
    %dma_start3A_12 = tpu.memref_squeeze %dma_start3A_11 : memref<1x8000xi32, #tpu.memory_space<hbm>> -> memref<8000xi32, #tpu.memory_space<hbm>>
    %dma_start3A_13 = arith.constant 0 : i32
    %dma_start3A_14 = tpu.memref_slice %arg3[%dma_start3A_9, %dma_start3A_13] : memref<40x8000xi32, #tpu.memory_space<hbm>> -> memref<1x8000xi32, #tpu.memory_space<hbm>>
    %dma_start3A_15 = tpu.memref_squeeze %dma_start3A_14 : memref<1x8000xi32, #tpu.memory_space<hbm>> -> memref<8000xi32, #tpu.memory_space<hbm>>
    tpu.enqueue_dma source(%dma_start3A_15 : memref<8000xi32, #tpu.memory_space<hbm>>) target(%arg8 : memref<8000xi32, #tpu.memory_space<vmem>>) target_semaphore(%arg13 : memref<!tpu.dma_semaphore, #tpu.memory_space<semaphore_mem>>)
    %dma_start3A_16 = arith.constant 0 : i32
    %dma_start3A_17 = arith.constant 0 : i32
    %dma_start3A_18 = tpu.memref_slice %arg4[%dma_start3A_16, %dma_start3A_17] : memref<40x8000xf32, #tpu.memory_space<hbm>> -> memref<1x8000xf32, #tpu.memory_space<hbm>>
    %dma_start3A_19 = tpu.memref_squeeze %dma_start3A_18 : memref<1x8000xf32, #tpu.memory_space<hbm>> -> memref<8000xf32, #tpu.memory_space<hbm>>
    %dma_start3A_20 = arith.constant 0 : i32
    %dma_start3A_21 = tpu.memref_slice %arg4[%dma_start3A_16, %dma_start3A_20] : memref<40x8000xf32, #tpu.memory_space<hbm>> -> memref<1x8000xf32, #tpu.memory_space<hbm>>
    %dma_start3A_22 = tpu.memref_squeeze %dma_start3A_21 : memref<1x8000xf32, #tpu.memory_space<hbm>> -> memref<8000xf32, #tpu.memory_space<hbm>>
    tpu.enqueue_dma source(%dma_start3A_22 : memref<8000xf32, #tpu.memory_space<hbm>>) target(%arg10 : memref<8000xf32, #tpu.memory_space<vmem>>) target_semaphore(%arg13 : memref<!tpu.dma_semaphore, #tpu.memory_space<semaphore_mem>>)
    %dma_wait3A = arith.constant 0 : i32
    %dma_wait3A_23 = tpu.memref_slice %arg2[%add3A, %dma_wait3A] : memref<32x40000xf32, #tpu.memory_space<hbm>> -> memref<1x40000xf32, #tpu.memory_space<hbm>>
    %dma_wait3A_24 = tpu.memref_squeeze %dma_wait3A_23 : memref<1x40000xf32, #tpu.memory_space<hbm>> -> memref<40000xf32, #tpu.memory_space<hbm>>
    %dma_wait3A_25 = arith.constant 0 : i32
    %dma_wait3A_26 = tpu.memref_slice %arg2[%add3A, %dma_wait3A_25] : memref<32x40000xf32, #tpu.memory_space<hbm>> -> memref<1x40000xf32, #tpu.memory_space<hbm>>
    %dma_wait3A_27 = tpu.memref_squeeze %dma_wait3A_26 : memref<1x40000xf32, #tpu.memory_space<hbm>> -> memref<40000xf32, #tpu.memory_space<hbm>>
    tpu.wait_dma2 semaphore(%arg12 : memref<!tpu.dma_semaphore, #tpu.memory_space<semaphore_mem>>) src(%dma_wait3A_27 : memref<40000xf32, #tpu.memory_space<hbm>>) dst(%arg6 : memref<40000xf32, #tpu.memory_space<vmem>>)
    %scan3A = arith.constant 0 : i32
    %scan3A_28 = arith.constant 0 : i32
    %scan3A_29 = arith.constant 20 : i32
    %scan3A_30 = arith.addi %scan3A_28, %scan3A_29 : i32
    %scan3A_31 = arith.constant 1 : i32
    scf.for %scan3A_33 = %scan3A_28 to %scan3A_30 step %scan3A_31  : i32 {
      %mul3A_34 = arith.constant 2 : i32
      %mul3A_35 = arith.muli %mul3A_34, %scan3A_33 : i32
      %add3A_36 = arith.constant 0 : i32
      %add3A_37 = arith.addi %mul3A_35, %add3A_36 : i32
      %dma_wait3A_38 = arith.constant 0 : i32
      %dma_wait3A_39 = tpu.memref_slice %arg3[%add3A_37, %dma_wait3A_38] : memref<40x8000xi32, #tpu.memory_space<hbm>> -> memref<1x8000xi32, #tpu.memory_space<hbm>>
      %dma_wait3A_40 = tpu.memref_squeeze %dma_wait3A_39 : memref<1x8000xi32, #tpu.memory_space<hbm>> -> memref<8000xi32, #tpu.memory_space<hbm>>
      %dma_wait3A_41 = arith.constant 0 : i32
      %dma_wait3A_42 = tpu.memref_slice %arg3[%add3A_37, %dma_wait3A_41] : memref<40x8000xi32, #tpu.memory_space<hbm>> -> memref<1x8000xi32, #tpu.memory_space<hbm>>
      %dma_wait3A_43 = tpu.memref_squeeze %dma_wait3A_42 : memref<1x8000xi32, #tpu.memory_space<hbm>> -> memref<8000xi32, #tpu.memory_space<hbm>>
      tpu.wait_dma2 semaphore(%arg13 : memref<!tpu.dma_semaphore, #tpu.memory_space<semaphore_mem>>) src(%dma_wait3A_43 : memref<8000xi32, #tpu.memory_space<hbm>>) dst(%arg8 : memref<8000xi32, #tpu.memory_space<vmem>>)
      %dma_wait3A_44 = arith.constant 0 : i32
      %dma_wait3A_45 = tpu.memref_slice %arg4[%add3A_37, %dma_wait3A_44] : memref<40x8000xf32, #tpu.memory_space<hbm>> -> memref<1x8000xf32, #tpu.memory_space<hbm>>
      %dma_wait3A_46 = tpu.memref_squeeze %dma_wait3A_45 : memref<1x8000xf32, #tpu.memory_space<hbm>> -> memref<8000xf32, #tpu.memory_space<hbm>>
      %dma_wait3A_47 = arith.constant 0 : i32
      %dma_wait3A_48 = tpu.memref_slice %arg4[%add3A_37, %dma_wait3A_47] : memref<40x8000xf32, #tpu.memory_space<hbm>> -> memref<1x8000xf32, #tpu.memory_space<hbm>>
      %dma_wait3A_49 = tpu.memref_squeeze %dma_wait3A_48 : memref<1x8000xf32, #tpu.memory_space<hbm>> -> memref<8000xf32, #tpu.memory_space<hbm>>
      tpu.wait_dma2 semaphore(%arg13 : memref<!tpu.dma_semaphore, #tpu.memory_space<semaphore_mem>>) src(%dma_wait3A_49 : memref<8000xf32, #tpu.memory_space<hbm>>) dst(%arg10 : memref<8000xf32, #tpu.memory_space<vmem>>)
      %add3A_50 = arith.constant 1 : i32
      %add3A_51 = arith.addi %add3A_37, %add3A_50 : i32
      %lt3A = arith.constant 40 : i32
      %lt3A_52 = arith.cmpi slt, %add3A_51, %lt3A : i32
      %convert_element_type3A = arith.extui %lt3A_52 : i1 to i32
      %cond3A = arith.constant 0 : i32
      %cond3A_53 = arith.cmpi ne, %convert_element_type3A, %cond3A : i32
      scf.if %cond3A_53 {
        %add3A_83 = arith.constant 1 : i32
        %add3A_84 = arith.addi %add3A_37, %add3A_83 : i32
        %dma_start3A_85 = arith.constant 0 : i32
        %dma_start3A_86 = tpu.memref_slice %arg3[%add3A_84, %dma_start3A_85] : memref<40x8000xi32, #tpu.memory_space<hbm>> -> memref<1x8000xi32, #tpu.memory_space<hbm>>
        %dma_start3A_87 = tpu.memref_squeeze %dma_start3A_86 : memref<1x8000xi32, #tpu.memory_space<hbm>> -> memref<8000xi32, #tpu.memory_space<hbm>>
        %dma_start3A_88 = arith.constant 0 : i32
        %dma_start3A_89 = tpu.memref_slice %arg3[%add3A_84, %dma_start3A_88] : memref<40x8000xi32, #tpu.memory_space<hbm>> -> memref<1x8000xi32, #tpu.memory_space<hbm>>
        %dma_start3A_90 = tpu.memref_squeeze %dma_start3A_89 : memref<1x8000xi32, #tpu.memory_space<hbm>> -> memref<8000xi32, #tpu.memory_space<hbm>>
        tpu.enqueue_dma source(%dma_start3A_90 : memref<8000xi32, #tpu.memory_space<hbm>>) target(%arg9 : memref<8000xi32, #tpu.memory_space<vmem>>) target_semaphore(%arg14 : memref<!tpu.dma_semaphore, #tpu.memory_space<semaphore_mem>>)
        %dma_start3A_91 = arith.constant 0 : i32
        %dma_start3A_92 = tpu.memref_slice %arg4[%add3A_84, %dma_start3A_91] : memref<40x8000xf32, #tpu.memory_space<hbm>> -> memref<1x8000xf32, #tpu.memory_space<hbm>>
        %dma_start3A_93 = tpu.memref_squeeze %dma_start3A_92 : memref<1x8000xf32, #tpu.memory_space<hbm>> -> memref<8000xf32, #tpu.memory_space<hbm>>
        %dma_start3A_94 = arith.constant 0 : i32
        %dma_start3A_95 = tpu.memref_slice %arg4[%add3A_84, %dma_start3A_94] : memref<40x8000xf32, #tpu.memory_space<hbm>> -> memref<1x8000xf32, #tpu.memory_space<hbm>>
        %dma_start3A_96 = tpu.memref_squeeze %dma_start3A_95 : memref<1x8000xf32, #tpu.memory_space<hbm>> -> memref<8000xf32, #tpu.memory_space<hbm>>
        tpu.enqueue_dma source(%dma_start3A_96 : memref<8000xf32, #tpu.memory_space<hbm>>) target(%arg11 : memref<8000xf32, #tpu.memory_space<vmem>>) target_semaphore(%arg14 : memref<!tpu.dma_semaphore, #tpu.memory_space<semaphore_mem>>)
      } else {
      }
      %parallel_loop3A_54 = arith.constant 0 : i32
      %parallel_loop3A_55 = arith.constant 500 : i32
      %parallel_loop3A_56 = arith.constant 1 : i32
      scf.for %parallel_loop3A_83 = %parallel_loop3A_54 to %parallel_loop3A_55 step %parallel_loop3A_56  : i32 {
        %parallel_loop3A_84 = arith.constant 16 : i32
        %parallel_loop3A_85 = arith.muli %parallel_loop3A_83, %parallel_loop3A_84 : i32
        %parallel_loop3A_86 = arith.index_cast %parallel_loop3A_85 : i32 to index
        %parallel_loop3A_87 = tpu.vector_load %arg8[%parallel_loop3A_86] {strides = array<i32>} : memref<8000xi32, #tpu.memory_space<vmem>>, vector<16xi32>,
        %parallel_loop3A_88 = arith.constant 16 : i32
        %parallel_loop3A_89 = arith.muli %parallel_loop3A_83, %parallel_loop3A_88 : i32
        %parallel_loop3A_90 = arith.index_cast %parallel_loop3A_89 : i32 to index
        %parallel_loop3A_91 = tpu.vector_load %arg10[%parallel_loop3A_90] {strides = array<i32>} : memref<8000xf32, #tpu.memory_space<vmem>>, vector<16xf32>,
        %parallel_loop3A_92 = arith.constant 14 : i32
        %parallel_loop3A_93 = vector.broadcast %parallel_loop3A_92 : i32 to vector<16xi32>
        %parallel_loop3A_94 = arith.shrui %parallel_loop3A_87, %parallel_loop3A_93 : vector<16xi32>
        %parallel_loop3A_95 = arith.constant 16383 : i32
        %parallel_loop3A_96 = vector.broadcast %parallel_loop3A_95 : i32 to vector<16xi32>
        %parallel_loop3A_97 = arith.andi %parallel_loop3A_87, %parallel_loop3A_96 : vector<16xi32>
        %parallel_loop3A_98 = arith.constant 0 : i32
        %parallel_loop3A_99 = vector.broadcast %parallel_loop3A_98 : i32 to vector<16xi32>
        %parallel_loop3A_100 = arith.addi %parallel_loop3A_94, %parallel_loop3A_99 : vector<16xi32>
        %parallel_loop3A_101 = tpu.vector_load_idx %arg6[%parallel_loop3A_100] : memref<40000xf32, #tpu.memory_space<vmem>>[vector<16xi32>], vector<16xf32>,
        %parallel_loop3A_102 = arith.constant 0 : i32
        %parallel_loop3A_103 = vector.broadcast %parallel_loop3A_102 : i32 to vector<16xi32>
        %parallel_loop3A_104 = arith.addi %parallel_loop3A_97, %parallel_loop3A_103 : vector<16xi32>
        %parallel_loop3A_105 = arith.mulf %parallel_loop3A_101, %parallel_loop3A_91 : vector<16xf32>
        tpu.vector_store_idx %arg7[%parallel_loop3A_104], %parallel_loop3A_105 {add = true} : memref<40000xf32, #tpu.memory_space<vmem>>[vector<16xi32>], vector<16xf32>,
        %parallel_loop3A_106 = arith.constant 10000 : i32
        %parallel_loop3A_107 = vector.broadcast %parallel_loop3A_106 : i32 to vector<16xi32>
        %parallel_loop3A_108 = arith.addi %parallel_loop3A_94, %parallel_loop3A_107 : vector<16xi32>
        %parallel_loop3A_109 = tpu.vector_load_idx %arg6[%parallel_loop3A_108] : memref<40000xf32, #tpu.memory_space<vmem>>[vector<16xi32>], vector<16xf32>,
        %parallel_loop3A_110 = arith.constant 10000 : i32
        %parallel_loop3A_111 = vector.broadcast %parallel_loop3A_110 : i32 to vector<16xi32>
        %parallel_loop3A_112 = arith.addi %parallel_loop3A_97, %parallel_loop3A_111 : vector<16xi32>
        %parallel_loop3A_113 = arith.mulf %parallel_loop3A_109, %parallel_loop3A_91 : vector<16xf32>
        tpu.vector_store_idx %arg7[%parallel_loop3A_112], %parallel_loop3A_113 {add = true} : memref<40000xf32, #tpu.memory_space<vmem>>[vector<16xi32>], vector<16xf32>,
        %parallel_loop3A_114 = arith.constant 20000 : i32
        %parallel_loop3A_115 = vector.broadcast %parallel_loop3A_114 : i32 to vector<16xi32>
        %parallel_loop3A_116 = arith.addi %parallel_loop3A_94, %parallel_loop3A_115 : vector<16xi32>
        %parallel_loop3A_117 = tpu.vector_load_idx %arg6[%parallel_loop3A_116] : memref<40000xf32, #tpu.memory_space<vmem>>[vector<16xi32>], vector<16xf32>,
        %parallel_loop3A_118 = arith.constant 20000 : i32
        %parallel_loop3A_119 = vector.broadcast %parallel_loop3A_118 : i32 to vector<16xi32>
        %parallel_loop3A_120 = arith.addi %parallel_loop3A_97, %parallel_loop3A_119 : vector<16xi32>
        %parallel_loop3A_121 = arith.mulf %parallel_loop3A_117, %parallel_loop3A_91 : vector<16xf32>
        tpu.vector_store_idx %arg7[%parallel_loop3A_120], %parallel_loop3A_121 {add = true} : memref<40000xf32, #tpu.memory_space<vmem>>[vector<16xi32>], vector<16xf32>,
        %parallel_loop3A_122 = arith.constant 30000 : i32
        %parallel_loop3A_123 = vector.broadcast %parallel_loop3A_122 : i32 to vector<16xi32>
        %parallel_loop3A_124 = arith.addi %parallel_loop3A_94, %parallel_loop3A_123 : vector<16xi32>
        %parallel_loop3A_125 = tpu.vector_load_idx %arg6[%parallel_loop3A_124] : memref<40000xf32, #tpu.memory_space<vmem>>[vector<16xi32>], vector<16xf32>,
        %parallel_loop3A_126 = arith.constant 30000 : i32
        %parallel_loop3A_127 = vector.broadcast %parallel_loop3A_126 : i32 to vector<16xi32>
        %parallel_loop3A_128 = arith.addi %parallel_loop3A_97, %parallel_loop3A_127 : vector<16xi32>
        %parallel_loop3A_129 = arith.mulf %parallel_loop3A_125, %parallel_loop3A_91 : vector<16xf32>
        tpu.vector_store_idx %arg7[%parallel_loop3A_128], %parallel_loop3A_129 {add = true} : memref<40000xf32, #tpu.memory_space<vmem>>[vector<16xi32>], vector<16xf32>,
      } {sc.loop_unroll_factor = 1 : i64, sc.parallel_access}
      %mul3A_57 = arith.constant 2 : i32
      %mul3A_58 = arith.muli %mul3A_57, %scan3A_33 : i32
      %add3A_59 = arith.constant 1 : i32
      %add3A_60 = arith.addi %mul3A_58, %add3A_59 : i32
      %dma_wait3A_61 = arith.constant 0 : i32
      %dma_wait3A_62 = tpu.memref_slice %arg3[%add3A_60, %dma_wait3A_61] : memref<40x8000xi32, #tpu.memory_space<hbm>> -> memref<1x8000xi32, #tpu.memory_space<hbm>>
      %dma_wait3A_63 = tpu.memref_squeeze %dma_wait3A_62 : memref<1x8000xi32, #tpu.memory_space<hbm>> -> memref<8000xi32, #tpu.memory_space<hbm>>
      %dma_wait3A_64 = arith.constant 0 : i32
      %dma_wait3A_65 = tpu.memref_slice %arg3[%add3A_60, %dma_wait3A_64] : memref<40x8000xi32, #tpu.memory_space<hbm>> -> memref<1x8000xi32, #tpu.memory_space<hbm>>
      %dma_wait3A_66 = tpu.memref_squeeze %dma_wait3A_65 : memref<1x8000xi32, #tpu.memory_space<hbm>> -> memref<8000xi32, #tpu.memory_space<hbm>>
      tpu.wait_dma2 semaphore(%arg14 : memref<!tpu.dma_semaphore, #tpu.memory_space<semaphore_mem>>) src(%dma_wait3A_66 : memref<8000xi32, #tpu.memory_space<hbm>>) dst(%arg9 : memref<8000xi32, #tpu.memory_space<vmem>>)
      %dma_wait3A_67 = arith.constant 0 : i32
      %dma_wait3A_68 = tpu.memref_slice %arg4[%add3A_60, %dma_wait3A_67] : memref<40x8000xf32, #tpu.memory_space<hbm>> -> memref<1x8000xf32, #tpu.memory_space<hbm>>
      %dma_wait3A_69 = tpu.memref_squeeze %dma_wait3A_68 : memref<1x8000xf32, #tpu.memory_space<hbm>> -> memref<8000xf32, #tpu.memory_space<hbm>>
      %dma_wait3A_70 = arith.constant 0 : i32
      %dma_wait3A_71 = tpu.memref_slice %arg4[%add3A_60, %dma_wait3A_70] : memref<40x8000xf32, #tpu.memory_space<hbm>> -> memref<1x8000xf32, #tpu.memory_space<hbm>>
      %dma_wait3A_72 = tpu.memref_squeeze %dma_wait3A_71 : memref<1x8000xf32, #tpu.memory_space<hbm>> -> memref<8000xf32, #tpu.memory_space<hbm>>
      tpu.wait_dma2 semaphore(%arg14 : memref<!tpu.dma_semaphore, #tpu.memory_space<semaphore_mem>>) src(%dma_wait3A_72 : memref<8000xf32, #tpu.memory_space<hbm>>) dst(%arg11 : memref<8000xf32, #tpu.memory_space<vmem>>)
      %add3A_73 = arith.constant 1 : i32
      %add3A_74 = arith.addi %add3A_60, %add3A_73 : i32
      %lt3A_75 = arith.constant 40 : i32
      %lt3A_76 = arith.cmpi slt, %add3A_74, %lt3A_75 : i32
      %convert_element_type3A_77 = arith.extui %lt3A_76 : i1 to i32
      %cond3A_78 = arith.constant 0 : i32
      %cond3A_79 = arith.cmpi ne, %convert_element_type3A_77, %cond3A_78 : i32
      scf.if %cond3A_79 {
        %add3A_83 = arith.constant 1 : i32
        %add3A_84 = arith.addi %add3A_60, %add3A_83 : i32
        %dma_start3A_85 = arith.constant 0 : i32
        %dma_start3A_86 = tpu.memref_slice %arg3[%add3A_84, %dma_start3A_85] : memref<40x8000xi32, #tpu.memory_space<hbm>> -> memref<1x8000xi32, #tpu.memory_space<hbm>>
        %dma_start3A_87 = tpu.memref_squeeze %dma_start3A_86 : memref<1x8000xi32, #tpu.memory_space<hbm>> -> memref<8000xi32, #tpu.memory_space<hbm>>
        %dma_start3A_88 = arith.constant 0 : i32
        %dma_start3A_89 = tpu.memref_slice %arg3[%add3A_84, %dma_start3A_88] : memref<40x8000xi32, #tpu.memory_space<hbm>> -> memref<1x8000xi32, #tpu.memory_space<hbm>>
        %dma_start3A_90 = tpu.memref_squeeze %dma_start3A_89 : memref<1x8000xi32, #tpu.memory_space<hbm>> -> memref<8000xi32, #tpu.memory_space<hbm>>
        tpu.enqueue_dma source(%dma_start3A_90 : memref<8000xi32, #tpu.memory_space<hbm>>) target(%arg8 : memref<8000xi32, #tpu.memory_space<vmem>>) target_semaphore(%arg13 : memref<!tpu.dma_semaphore, #tpu.memory_space<semaphore_mem>>)
        %dma_start3A_91 = arith.constant 0 : i32
        %dma_start3A_92 = tpu.memref_slice %arg4[%add3A_84, %dma_start3A_91] : memref<40x8000xf32, #tpu.memory_space<hbm>> -> memref<1x8000xf32, #tpu.memory_space<hbm>>
        %dma_start3A_93 = tpu.memref_squeeze %dma_start3A_92 : memref<1x8000xf32, #tpu.memory_space<hbm>> -> memref<8000xf32, #tpu.memory_space<hbm>>
        %dma_start3A_94 = arith.constant 0 : i32
        %dma_start3A_95 = tpu.memref_slice %arg4[%add3A_84, %dma_start3A_94] : memref<40x8000xf32, #tpu.memory_space<hbm>> -> memref<1x8000xf32, #tpu.memory_space<hbm>>
        %dma_start3A_96 = tpu.memref_squeeze %dma_start3A_95 : memref<1x8000xf32, #tpu.memory_space<hbm>> -> memref<8000xf32, #tpu.memory_space<hbm>>
        tpu.enqueue_dma source(%dma_start3A_96 : memref<8000xf32, #tpu.memory_space<hbm>>) target(%arg10 : memref<8000xf32, #tpu.memory_space<vmem>>) target_semaphore(%arg13 : memref<!tpu.dma_semaphore, #tpu.memory_space<semaphore_mem>>)
      } else {
      }
      %parallel_loop3A_80 = arith.constant 0 : i32
      %parallel_loop3A_81 = arith.constant 500 : i32
      %parallel_loop3A_82 = arith.constant 1 : i32
      scf.for %parallel_loop3A_83 = %parallel_loop3A_80 to %parallel_loop3A_81 step %parallel_loop3A_82  : i32 {
        %parallel_loop3A_84 = arith.constant 16 : i32
        %parallel_loop3A_85 = arith.muli %parallel_loop3A_83, %parallel_loop3A_84 : i32
        %parallel_loop3A_86 = arith.index_cast %parallel_loop3A_85 : i32 to index
        %parallel_loop3A_87 = tpu.vector_load %arg9[%parallel_loop3A_86] {strides = array<i32>} : memref<8000xi32, #tpu.memory_space<vmem>>, vector<16xi32>,
        %parallel_loop3A_88 = arith.constant 16 : i32
        %parallel_loop3A_89 = arith.muli %parallel_loop3A_83, %parallel_loop3A_88 : i32
        %parallel_loop3A_90 = arith.index_cast %parallel_loop3A_89 : i32 to index
        %parallel_loop3A_91 = tpu.vector_load %arg11[%parallel_loop3A_90] {strides = array<i32>} : memref<8000xf32, #tpu.memory_space<vmem>>, vector<16xf32>,
        %parallel_loop3A_92 = arith.constant 14 : i32
        %parallel_loop3A_93 = vector.broadcast %parallel_loop3A_92 : i32 to vector<16xi32>
        %parallel_loop3A_94 = arith.shrui %parallel_loop3A_87, %parallel_loop3A_93 : vector<16xi32>
        %parallel_loop3A_95 = arith.constant 16383 : i32
        %parallel_loop3A_96 = vector.broadcast %parallel_loop3A_95 : i32 to vector<16xi32>
        %parallel_loop3A_97 = arith.andi %parallel_loop3A_87, %parallel_loop3A_96 : vector<16xi32>
        %parallel_loop3A_98 = arith.constant 0 : i32
        %parallel_loop3A_99 = vector.broadcast %parallel_loop3A_98 : i32 to vector<16xi32>
        %parallel_loop3A_100 = arith.addi %parallel_loop3A_94, %parallel_loop3A_99 : vector<16xi32>
        %parallel_loop3A_101 = tpu.vector_load_idx %arg6[%parallel_loop3A_100] : memref<40000xf32, #tpu.memory_space<vmem>>[vector<16xi32>], vector<16xf32>,
        %parallel_loop3A_102 = arith.constant 0 : i32
        %parallel_loop3A_103 = vector.broadcast %parallel_loop3A_102 : i32 to vector<16xi32>
        %parallel_loop3A_104 = arith.addi %parallel_loop3A_97, %parallel_loop3A_103 : vector<16xi32>
        %parallel_loop3A_105 = arith.mulf %parallel_loop3A_101, %parallel_loop3A_91 : vector<16xf32>
        tpu.vector_store_idx %arg7[%parallel_loop3A_104], %parallel_loop3A_105 {add = true} : memref<40000xf32, #tpu.memory_space<vmem>>[vector<16xi32>], vector<16xf32>,
        %parallel_loop3A_106 = arith.constant 10000 : i32
        %parallel_loop3A_107 = vector.broadcast %parallel_loop3A_106 : i32 to vector<16xi32>
        %parallel_loop3A_108 = arith.addi %parallel_loop3A_94, %parallel_loop3A_107 : vector<16xi32>
        %parallel_loop3A_109 = tpu.vector_load_idx %arg6[%parallel_loop3A_108] : memref<40000xf32, #tpu.memory_space<vmem>>[vector<16xi32>], vector<16xf32>,
        %parallel_loop3A_110 = arith.constant 10000 : i32
        %parallel_loop3A_111 = vector.broadcast %parallel_loop3A_110 : i32 to vector<16xi32>
        %parallel_loop3A_112 = arith.addi %parallel_loop3A_97, %parallel_loop3A_111 : vector<16xi32>
        %parallel_loop3A_113 = arith.mulf %parallel_loop3A_109, %parallel_loop3A_91 : vector<16xf32>
        tpu.vector_store_idx %arg7[%parallel_loop3A_112], %parallel_loop3A_113 {add = true} : memref<40000xf32, #tpu.memory_space<vmem>>[vector<16xi32>], vector<16xf32>,
        %parallel_loop3A_114 = arith.constant 20000 : i32
        %parallel_loop3A_115 = vector.broadcast %parallel_loop3A_114 : i32 to vector<16xi32>
        %parallel_loop3A_116 = arith.addi %parallel_loop3A_94, %parallel_loop3A_115 : vector<16xi32>
        %parallel_loop3A_117 = tpu.vector_load_idx %arg6[%parallel_loop3A_116] : memref<40000xf32, #tpu.memory_space<vmem>>[vector<16xi32>], vector<16xf32>,
        %parallel_loop3A_118 = arith.constant 20000 : i32
        %parallel_loop3A_119 = vector.broadcast %parallel_loop3A_118 : i32 to vector<16xi32>
        %parallel_loop3A_120 = arith.addi %parallel_loop3A_97, %parallel_loop3A_119 : vector<16xi32>
        %parallel_loop3A_121 = arith.mulf %parallel_loop3A_117, %parallel_loop3A_91 : vector<16xf32>
        tpu.vector_store_idx %arg7[%parallel_loop3A_120], %parallel_loop3A_121 {add = true} : memref<40000xf32, #tpu.memory_space<vmem>>[vector<16xi32>], vector<16xf32>,
        %parallel_loop3A_122 = arith.constant 30000 : i32
        %parallel_loop3A_123 = vector.broadcast %parallel_loop3A_122 : i32 to vector<16xi32>
        %parallel_loop3A_124 = arith.addi %parallel_loop3A_94, %parallel_loop3A_123 : vector<16xi32>
        %parallel_loop3A_125 = tpu.vector_load_idx %arg6[%parallel_loop3A_124] : memref<40000xf32, #tpu.memory_space<vmem>>[vector<16xi32>], vector<16xf32>,
        %parallel_loop3A_126 = arith.constant 30000 : i32
        %parallel_loop3A_127 = vector.broadcast %parallel_loop3A_126 : i32 to vector<16xi32>
        %parallel_loop3A_128 = arith.addi %parallel_loop3A_97, %parallel_loop3A_127 : vector<16xi32>
        %parallel_loop3A_129 = arith.mulf %parallel_loop3A_125, %parallel_loop3A_91 : vector<16xf32>
        tpu.vector_store_idx %arg7[%parallel_loop3A_128], %parallel_loop3A_129 {add = true} : memref<40000xf32, #tpu.memory_space<vmem>>[vector<16xi32>], vector<16xf32>,
      } {sc.loop_unroll_factor = 1 : i64, sc.parallel_access}
    }
    %scan3A_32 = arith.constant 20 : i32
    "tpu.region"() ({
      %run_scoped3A = tpu.sem_alloc : memref<!tpu.dma_semaphore, #tpu.memory_space<semaphore_mem>>
      %dma_start3A_33 = arith.constant 0 : i32
      %dma_start3A_34 = tpu.memref_slice %arg5[%add3A, %dma_start3A_33] : memref<32x40000xf32, #tpu.memory_space<hbm>> -> memref<1x40000xf32, #tpu.memory_space<hbm>>
      %dma_start3A_35 = tpu.memref_squeeze %dma_start3A_34 : memref<1x40000xf32, #tpu.memory_space<hbm>> -> memref<40000xf32, #tpu.memory_space<hbm>>
      %dma_start3A_36 = arith.constant 0 : i32
      %dma_start3A_37 = tpu.memref_slice %arg5[%add3A, %dma_start3A_36] : memref<32x40000xf32, #tpu.memory_space<hbm>> -> memref<1x40000xf32, #tpu.memory_space<hbm>>
      %dma_start3A_38 = tpu.memref_squeeze %dma_start3A_37 : memref<1x40000xf32, #tpu.memory_space<hbm>> -> memref<40000xf32, #tpu.memory_space<hbm>>
      tpu.enqueue_dma source(%arg7 : memref<40000xf32, #tpu.memory_space<vmem>>) target(%dma_start3A_38 : memref<40000xf32, #tpu.memory_space<hbm>>) target_semaphore(%run_scoped3A : memref<!tpu.dma_semaphore, #tpu.memory_space<semaphore_mem>>)
      %dma_wait3A_39 = arith.constant 0 : i32
      %dma_wait3A_40 = tpu.memref_slice %arg5[%add3A, %dma_wait3A_39] : memref<32x40000xf32, #tpu.memory_space<hbm>> -> memref<1x40000xf32, #tpu.memory_space<hbm>>
      %dma_wait3A_41 = tpu.memref_squeeze %dma_wait3A_40 : memref<1x40000xf32, #tpu.memory_space<hbm>> -> memref<40000xf32, #tpu.memory_space<hbm>>
      %dma_wait3A_42 = arith.constant 0 : i32
      %dma_wait3A_43 = tpu.memref_slice %arg5[%add3A, %dma_wait3A_42] : memref<32x40000xf32, #tpu.memory_space<hbm>> -> memref<1x40000xf32, #tpu.memory_space<hbm>>
      %dma_wait3A_44 = tpu.memref_squeeze %dma_wait3A_43 : memref<1x40000xf32, #tpu.memory_space<hbm>> -> memref<40000xf32, #tpu.memory_space<hbm>>
      tpu.wait_dma2 semaphore(%run_scoped3A : memref<!tpu.dma_semaphore, #tpu.memory_space<semaphore_mem>>) src(%arg7 : memref<40000xf32, #tpu.memory_space<vmem>>) dst(%dma_wait3A_44 : memref<40000xf32, #tpu.memory_space<hbm>>)
      tpu.yield
    }) : () -> ()
    return
  }
}

</mosaic_0001>

<sc_bundles>
// kernel: kernel.3.cloned.1.call-start
scs
__scs_entry_jumppad:
0x0: {  	(pc) =	sbr.rel $0x88, $3  }
0x1: {  	(tag) =	ssettag $0x0;
	lr =	simm.s32 $0x1  }
0x2: {  	[smem:$0x3F9D] =	sst lr;
	_ =	strace $0xD0000000  }
0x3: {  	_ = 	snop  }
0x4: {  	_ = 	snop  }
0x5: {  	_ = 	snop  }
0x6: {  	_ = 	snop  }
0x7: {  	_ = 	snop  }
__scs_overlays_trampoline_lowered:
0x8: {  	[smem:$0x3FAC] =	sst s0  }
0x9: {  	[smem:$0x3FAD] =	sst s1  }
0xa: {  	[smem:$0x3FAE] =	sst s2  }
0xb: {  	[smem:$0x3FAF] =	sst s3  }
0xc: {  	[smem:$0x3FB0] =	sst s4  }
0xd: {  	[smem:$0x3FB1] =	sst s5  }
0xe: {  	[smem:$0x3FB2] =	sst s6  }
0xf: {  	[smem:$0x3FB3] =	sst s7  }
0x10: {  	[smem:$0x3FB4] =	sst s8  }
0x11: {  	[smem:$0x3FB5] =	sst s9;
	s0 =	simm.s32 @!p0 $0x0  }
0x12: {  	s1 =	sld [smem:$0x3F9B];
	s0 =	simm.s32 @p0 $0x1  }
0x13: {  	[smem:$0x3FB6] =	sst s0;
	s0 =	simm.s32 @!p1 $0x0  }
0x14: {  	s2 =	sld [smem:$0x3F9A];
	s0 =	simm.s32 @p1 $0x1  }
0x15: {  	[smem:$0x3FB7] =	sst s0;
	s0 =	simm.s32 @!p2 $0x0  }
0x16: {  	s3 =	sld [smem:$0x3FDB];
	s0 =	simm.s32 @p2 $0x1  }
0x17: {  	s4 =	simm.s32 $0x1BF5;
	[smem:$0x3FB9] =	sst s0  }
0x18: {  	s0 =	sld [smem:$0x3F9C];
	_ =	swait.ge [sflag:s4], $0x0  }
0x19: {  	s7 =	sld [smem:$0x3F9D]  }
0x1a: {  	s8 =	sadd.s32 $0xFFFFE003, lr  }
0x1b: {  	s9 =	sadd.s32 $0xFFFFFEF7, lr;
	s5 =	simm.s32 $0xFFFFFFFF;
	p2 =	slt.u32 s8, $0xFFFFF086  }
0x1c: {  	p1 =	slt.u32 s9, $0xF7A;
	s5 =	simm.s32 @!p2 $0x0  }
0x1d: {  	s5 =	simm.s32 @p1 $0x1;
	p0 =	seq.s32 s7, s2  }
0x1e: {  	s7 =	smul.u32 @!p0 $0xF7A, s2;
	p2 =	seq.s32 @!p0 s5, $0x0  }
0x1f: {  	s9 =	smul.u32 $0xF7A, s1;
	s8 =	simm.s32 @!p0 $0x1BF5;
	p2 =	por !p2, p0  }
0x20: {  	[sflag:s8] =	ssyncset.s32 @!p0 $0xFFFFF086;
	s6 =	sadd.s32 @!p0 s3, s7;
	s7 =	simm.s32 @!p0 $0x108  }
0x21: {  	s3 =	sadd.s32 s3, s9;
	s6 =	sadd.s32 @!p0 $0x88, s6;
	s7 =	simm.s32 @p2 $0x1082  }
0x22: {  	[simem:s7], [sflag:s8] =	dma.local @!p0 [hbm:s6], $0xF7A  }
0x23: {  	s9 =	sor.u32 $0xD0000000, s2;
	s6 =	simm.s32 $0x108;
	_ =	swait.ge @!p0 [sflag:s8], $0x0  }
0x24: {  	s3 =	sadd.s32 $0x88, s3;
	s6 =	simm.s32 @!p1 $0x1082;
	[sflag:s4] =	ssyncset.s32 $0xFFFFF086  }
0x25: {  	[simem:s6], [sflag:s4] =	dma.local [hbm:s3], $0xF7A  }
0x26: {  	[smem:$0x3F9D] =	sst s1;
	(tag) =	ssettag s2;
	_ =	strace s9  }
0x27: {  	s1 =	sld [smem:$0x3FAD]  }
0x28: {  	s2 =	sld [smem:$0x3FAE]  }
0x29: {  	s4 =	sld [smem:$0x3FB0]  }
0x2a: {  	p0 =	seq.s32 s5, $0x0;
	s5 =	sld [smem:$0x3FB1]  }
0x2b: {  	s6 =	sld [smem:$0x3FB2]  }
0x2c: {  	s7 =	sld [smem:$0x3FB3]  }
0x2d: {  	s3 =	simm.s32 $0x108;
	s8 =	sld [smem:$0x3FB4]  }
0x2e: {  	s3 =	simm.s32 @!p0 $0x1082;
	s9 =	sld [smem:$0x3FB5]  }
0x2f: {  	lr =	sadd.s32 s0, s3;
	s0 =	sld [smem:$0x3FAC]  }
0x30: {  	s3 =	sld [smem:$0x3FAF]  }
0x31: {  	[smem:$0x3FB8] =	sst s10  }
0x32: {  	s10 =	sld [smem:$0x3FB6];
	_ =	sdelay $0x3  }
0x33: {  	p0 =	seq.s32 s10, $0x1;
	s10 =	sld [smem:$0x3FB8];
	_ =	sdelay $0x3  }
0x34: {  	[smem:$0x3FB8] =	sst s10  }
0x35: {  	s10 =	sld [smem:$0x3FB7];
	_ =	sdelay $0x3  }
0x36: {  	p1 =	seq.s32 s10, $0x1;
	s10 =	sld [smem:$0x3FB8];
	_ =	sdelay $0x3  }
0x37: {  	[smem:$0x3FB8] =	sst s10  }
0x38: {  	s10 =	sld [smem:$0x3FB9]  }
0x39: {  	_ = 	snop;
	(pc) =	sbr.ind lr, $3  }
0x3a: {  	_ = 	snop  }
0x3b: {  	_ = 	snop  }
0x3c: {  	p2 =	seq.s32 s10, $0x1;
	s10 =	sld [smem:$0x3FB8]  }
0x3d: {  	_ =	shalt  }
0x3e: {  	_ =	shalt  }
0x3f: {  	_ =	shalt  }
0x40: {  	_ =	shalt  }
0x41: {  	_ =	shalt  }
0x42: {  	_ =	shalt  }
0x43: {  	_ =	shalt  }
0x44: {  	_ =	shalt  }
0x45: {  	_ =	shalt  }
0x46: {  	_ =	shalt  }
0x47: {  	_ =	shalt  }
0x48: {  	_ =	shalt  }
0x49: {  	_ =	shalt  }
0x4a: {  	_ =	shalt  }
0x4b: {  	_ =	shalt  }
0x4c: {  	_ =	shalt  }
0x4d: {  	_ =	shalt  }
0x4e: {  	_ =	shalt  }
0x4f: {  	_ =	shalt  }
0x50: {  	_ =	shalt  }
0x51: {  	_ =	shalt  }
0x52: {  	_ =	shalt  }
0x53: {  	_ =	shalt  }
0x54: {  	_ =	shalt  }
0x55: {  	_ =	shalt  }
0x56: {  	_ =	shalt  }
0x57: {  	_ =	shalt  }
0x58: {  	_ =	shalt  }
0x59: {  	_ =	shalt  }
0x5a: {  	_ =	shalt  }
0x5b: {  	_ =	shalt  }
0x5c: {  	_ =	shalt  }
0x5d: {  	_ =	shalt  }
0x5e: {  	_ =	shalt  }
0x5f: {  	_ =	shalt  }
0x60: {  	_ =	shalt  }
0x61: {  	_ =	shalt  }
0x62: {  	_ =	shalt  }
0x63: {  	_ =	shalt  }
0x64: {  	_ =	shalt  }
0x65: {  	_ =	shalt  }
0x66: {  	_ =	shalt  }
0x67: {  	_ =	shalt  }
0x68: {  	_ =	shalt  }
0x69: {  	_ =	shalt  }
0x6a: {  	_ =	shalt  }
0x6b: {  	_ =	shalt  }
0x6c: {  	_ =	shalt  }
0x6d: {  	_ =	shalt  }
0x6e: {  	_ =	shalt  }
0x6f: {  	_ =	shalt  }
0x70: {  	_ =	shalt  }
0x71: {  	_ =	shalt  }
0x72: {  	_ =	shalt  }
0x73: {  	_ =	shalt  }
0x74: {  	_ =	shalt  }
0x75: {  	_ =	shalt  }
0x76: {  	_ =	shalt  }
0x77: {  	_ =	shalt  }
0x78: {  	_ =	shalt  }
0x79: {  	_ =	shalt  }
0x7a: {  	_ =	shalt  }
0x7b: {  	_ =	shalt  }
0x7c: {  	_ =	shalt  }
0x7d: {  	_ =	shalt  }
0x7e: {  	_ =	shalt  }
0x7f: {  	_ =	shalt  }
0x80: {  	_ =	shalt  }
0x81: {  	_ =	shalt  }
0x82: {  	_ =	shalt  }
0x83: {  	_ =	shalt  }
0x84: {  	_ =	shalt  }
0x85: {  	_ =	shalt  }
0x86: {  	_ =	shalt  }
0x87: {  	_ =	shalt  }
.Lfunc_end0:
.L_simem_size_0:
called_computation_lowered:
.L_overlay_start_0:
0x88: {  	s2 =	sld [smem:$0x3FD9]  }
0x89: {  	s3 =	sld [smem:$0x3FFE];
	_ =	sdelay $0x1  }
0x8a: {  	s1 =	srdreg.scid  }
0x8b: {  	s0 =	sand.u32 $0x1, s1  }
0x8c: {  	s14 =	sshll.u32 s0, $0xA;
	s2 =	sadd.s32 s3, s2  }
0x8d: {  	s2 =	sadd.s32 s2, s14  }
0x8e: {  	[smem:$0x3FC4] =	sst s2  }
0x8f: {  	_ = 	snop  }
0x90: {  	s2 =	sld [smem:$0x3FD0];
	_ =	sdelay $0x2  }
0x91: {  	s15 =	simm.s32 $0xA;
	s4 =	simm.s32 $0x10  }
0x92: {  	[smem:s4], [sflag:s15] =	dma.local [hbm:s2], $0x1  }
0x93: {  	_ =	swait.eq [sflag:s15], $0x1  }
0x94: {  	[sflag:s15] =	ssyncset.done $0x0  }
0x95: {  	s16 =	sld [smem:$0x10];
	[sflag:s15] =	ssyncadd.s32 $0xFFFFFFFF  }
0x96: {  	s17 =	sld [smem:$0x11];
	(tm) =	ssettm $0x1  }
0x97: {  	s18 =	sld [smem:$0x3FFB];
	_ =	sdelay $0x3  }
0x98: {  	_ =	strace s18  }
0x99: {  	s4 =	sld [smem:$0x3FFC];
	_ =	sdelay $0x3  }
0x9a: {  	_ =	strace s4  }
0x9b: {  	s4 =	sld [smem:$0x3FFD];
	_ =	sdelay $0x3  }
0x9c: {  	_ =	strace s4  }
0x9d: {  	_ =	strace $0x8FFFFFFF  }
0x9e: {  	s19 =	sld [smem:$0x3FDB];
	_ =	sdelay $0x1  }
0x9f: {  	s5 =	simm.s32 $_scs_section_size  }
0xa0: {  	s6 =	simm.s32 $_size__tile_overlayer_lowered;
	s7 =	simm.s32 $_tile_overlayer_lowered  }
0xa1: {  	s22 =	simm.s32 $0x1BFF;
	s21 =	sshll.u32 s7, $0x1;
	s4 =	sadd.s32 s5, s19  }
0xa2: {  	s8 =	simm.s32 $0x0;
	s20 =	sshll.u32 s6, $0x1;
	s6 =	sadd.s32 s21, s4  }
0xa3: {  	[timem:s8], [sflag:s22] =	dma.local [hbm:s6], s20  }
0xa4: {  	_ =	swait.ge [sflag:s22], s20  }
0xa5: {  	s5 =	ssub.s32 $0x0, s20;
	[sflag:s22] =	ssyncset.done $0x0  }
0xa6: {  	[sflag:s22] =	ssyncadd.s32 s5;
	_ =	sdelay $0x1  }
0xa7: {  	s23 =	simm.s32 $0x1B8B  }
0xa8: {  	_ =	swait.ge [sflag:s23], $0x1  }
0xa9: {  	[sflag:s23] =	ssyncset.done $0x0  }
0xaa: {  	s25 =	simm.s32 $0x1B8E;
	s24 =	sld [smem:$0x3FFE];
	[sflag:s23] =	ssyncadd.s32 $0xFFFFFFFF  }
0xab: {  	s26 =	simm.s32 $execute0_lowered;
	[smem:$0x3FD2] =	sst s25  }
0xac: {  	s6 =	sshll.u32 s26, $0x1;
	_ =	strace $0x80000046;
	[dreg:$0x1] =	wrdreg $0xFFFFFFFF  }
0xad: {  	s28 =	simm.s32 $_size_execute0_lowered;
	s4 =	sadd.s32 s4, s6;
	[dreg:$0x0] =	wrdreg $0x0  }
0xae: {  	s6 =	sshll.u32 s28, $0x1;
	[dreg:$0x2] =	wrdreg s4  }
0xaf: {  	[dreg:$0x3] =	wrdreg s6  }
0xb0: {  	[dreg:$0x4] =	wrdreg $0xC0  }
0xb1: {  	_ =	task [dreg:s8], $0x5FFFF  }
0xb2: {  	[dreg:$0x1] =	wrdreg $0xFFFFFFFF  }
0xb3: {  	[dreg:$0x0] =	wrdreg $0x60  }
0xb4: {  	[dreg:$0x2] =	wrdreg s24  }
0xb5: {  	[dreg:$0x3] =	wrdreg s17  }
0xb6: {  	[dreg:$0x4] =	wrdreg s16  }
0xb7: {  	[dreg:$0x5] =	wrdreg $0x9  }
0xb8: {  	_ =	task.clear_ibuf [dreg:s8], $0x6FFFF;
	_ =	strace $0x90000046  }
0xb9: {  	s29 =	simm.s32 $0x9;
	_ =	strace $0x80000048  }
0xba: {  	_ =	swait.ge [sflag:s29], $0x1  }
0xbb: {  	[sflag:s29] =	ssyncadd.s32 $0xFFFFFFFF  }
0xbc: {  	_ =	strace $0x90000048  }
0xbd: {  	_ =	sfence  }
0xbe: {  	s30 =	sld [smem:$0x0];
	_ =	sdelay $0x2  }
0xbf: {  	s31 =	sshll.u32 s1, $0xD;
	s1 =	sshrl.u32 s1, $0x2  }
0xc0: {  	s3 =	sand.u32 $0x4000, s31;
	s1 =	sadd.s32 s1, s30  }
0xc1: {  	s0 =	sor.u32 s3, s0;
	s1 =	sshll.u32 s1, $0x11  }
0xc2: {  	s0 =	sor.u32 s1, s0  }
0xc3: {  	s0 =	sadd.s32 $0x8F2B, s0  }
0xc4: {  	[sflag:s0] =	ssyncadd.remote.s32 $0x1  }
0xc5: {  	_ =	sfence.sel $0xFFFF  }
0xc6: {  	[dreg:$0x0] =	wrdreg $0xFFFFFFFF;
	(pc) =	sbr.abs _section_cstart, $3  }
0xc7: {  	[dreg:$0x1] =	wrdreg $0xFFFFFFFF  }
0xc8: {  	_ =	task.clear_ibuf [dreg:s8], $0x2FFFF;
	_ =	strace $0x9FFFFFFF  }
0xc9: {  	(tm) =	ssettm $0x7FFFFFFF  }
tec
execute0_lowered:
.L_overlay_start_1:
0x0: {  	(tag) =	ssettag $0x1  }
0x1: {  	s5 =	rddreg [dreg:$0x0]  }
0x2: {  	s1 =	rddreg [dreg:$0x1]  }
0x3: {  	s2 =	rddreg [dreg:$0x2];
	s3 =	srdreg.scid  }
0x4: {  	s0 =	stileid.u32;
	s9 =	simm.s32 $0x400;
	s10 =	simm.s32 $0x13900  }
0x5: {  	s11 =	simm.s32 $0x17800;
	s12 =	simm.s32 $0x1;
	s13 =	simm.s32 $0x2  }
0x6: {  	s14 =	simm.s32 $0x15880;
	s15 =	simm.s32 $0x19780;
	s16 =	simm.s32 $0x9C80  }
0x7: {  	s6 =	sand.u32 $0x1, s3;
	s30 =	sshrl.u32 s0, $0x2;
	s4 =	sshll.u32 s0, $0x8  }
0x8: {  	s7 =	smul.u32 $0x4E400, s30;
	s8 =	sshll.u32 s6, $0x7;
	s4 =	sand.u32 $0x300, s4  }
0x9: {  	s17 =	simm.s32 $0x3;
	s18 =	simm.s32 $0x4;
	s8 =	sor.u32 s8, s4  }
0xa: {  	s19 =	simm.s32 $0x0;
	s3 =	rddreg [dreg:$0x3];
	s7 =	sor.u32 s7, s8  }
0xb: {  	s6 =	ssub.s32 $0x2, s6;
	s4 =	simm.s32 $0x0;
	s7 =	sshrl.u32 s7, $0x3  }
0xc: {  	s31 =	sshrl.u32 s6, $0x1;
	[smem:$0x7FF] =	sst s4;
	s7 =	sadd.s32 s7, s5  }
0xd: {  	s8 =	ssub.s32 s6, s31;
	_ =	strace $0x80000047;
	s5 =	sadd.s32 $0x800, s7  }
0xe: {  	v0 =	vimm.f32 $0.0e+00;
	s6 =	sadd.s32 $0x27A00, s7;
	s7 =	smax.u32 s8, $0x1;
	s8 =	simm.s32 $0x80  }
.LBB2_1:
0xf: {  	[tilespmem:s4], [sflag:$0x1] =	stream.strided.gather [hbm4b:s5+s8], $0x9C80, s9, s8, $0x38;
	[tilespmem:$0x1B700] =	vst v63  }
0x10: {  	s20 =	simm.s32 $0x9CC0  }
0x11: {  	[tilespmem:s20+$0xFFFFFFC0] =	vst v0  }
0x12: {  	[tilespmem:s20+$0x30] =	vst v0  }
0x13: {  	[tilespmem:s20+$0x20] =	vst v0  }
0x14: {  	[tilespmem:s20+$0x10] =	vst v0  }
0x15: {  	[tilespmem:s20+$0x0] =	vst v0  }
0x16: {  	[tilespmem:s20+$0xFFFFFFF0] =	vst v0  }
0x17: {  	s21 =	simm.s32 $0x0;
	[tilespmem:s20+$0xFFFFFFE0] =	vst v0  }
.LBB2_2:
0x18: {  	s21 =	sadd.s32 $0x8, s21;
	[tilespmem:s20+$0xFFFFFFD0] =	vst v0;
	s20 =	sadd.s32 $0x80, s20  }
0x19: {  	[tilespmem:s20+$0xFFFFFFC0] =	vst v0;
	p0 =	slt.u32 s21, $0x9B8  }
0x1a: {  	[tilespmem:s20+$0x30] =	vst v0  }
.Ltmp0:
0x1b: {  	[tilespmem:s20+$0x20] =	vst v0;
	(pc) =	sbr.rel @p0 .LBB2_2-.Ltmp0, $4  }
0x1c: {  	[tilespmem:s20+$0x10] =	vst v0  }
0x1d: {  	[tilespmem:s20+$0x0] =	vst v0  }
0x1e: {  	[tilespmem:s20+$0xFFFFFFF0] =	vst v0  }
0x1f: {  	[tilespmem:s20+$0xFFFFFFE0] =	vst v0  }
0x20: {  	[tilespmem:s20+$0xFFFFFFD0] =	vst v0;
	s20 =	simm.s32 $0x0  }
.LBB2_4:
0x21: {  	p0 =	sne.s32 s20, $0xC0  }
.Ltmp1:
0x22: {  	_ = 	snop;
	(pc) =	sbr.rel @p0 .LBB2_4-.Ltmp1, $3  }
0x23: {  	_ =	sdelay $0x1  }
0x24: {  	s21 =	sshra.s32 s20, $0x2  }
0x25: {  	s20 =	sadd.s32 $0x40, s20;
	[tilespmem:s21+$0x13880] =	vst v0  }
0x26: {  	[tilespmem:s10], [sflag:$0x2] =	stream.strided.gather [hbm4b:s1+s8], $0x1F80, s9, s8, $0x38;
	[tilespmem:$0x1B700] =	vst v63  }
0x27: {  	_ = 	snop  }
0x28: {  	[tilespmem:s11], [sflag:$0x2] =	stream.strided.gather [hbm4b:s2+s8], $0x1F80, s9, s8, $0x38;
	[tilespmem:$0x1B700] =	vst v63  }
0x29: {  	_ =	swait.ge [sflag:s12], $0x9C80  }
0x2a: {  	[sflag:s12] =	ssyncset.done $0x0  }
0x2b: {  	s20 =	simm.s32 $0x0;
	[sflag:s12] =	ssyncadd.s32 $0xFFFF6380  }
.LBB2_6:
0x2c: {  	s21 =	sshrl.u32 s20, $0x2  }
0x2d: {  	_ =	swait.ge [sflag:s13], $0x1F80;
	s22 =	sshll.u32 s20, $0x8;
	s21 =	smul.u32 $0xFC00, s21  }
0x2e: {  	[sflag:s13] =	ssyncset.done $0x0;
	s22 =	sand.u32 $0x300, s22  }
0x2f: {  	[sflag:s13] =	ssyncadd.s32 $0xFFFFE080;
	s21 =	sor.u32 s21, s22  }
0x30: {  	_ =	swait.ge [sflag:s13], $0x1F80;
	s21 =	sshrl.u32 s21, $0x3  }
0x31: {  	[sflag:s13] =	ssyncset.done $0x0;
	s21 =	sor.u32 $0x10, s21  }
0x32: {  	[sflag:s13] =	ssyncadd.s32 $0xFFFFE080;
	s26 =	sadd.s32 s1, s21  }
0x33: {  	[tilespmem:s14], [sflag:$0x3] =	stream.strided.gather [hbm4b:s26+s8], $0x1F80, s9, s8, $0x38;
	[tilespmem:$0x1B700] =	vst v63  }
0x34: {  	s28 =	simm.s32 $0x0;
	s21 =	sadd.s32 s2, s21  }
0x35: {  	[tilespmem:s15], [sflag:$0x3] =	stream.strided.gather [hbm4b:s21+s8], $0x1F80, s9, s8, $0x38;
	[tilespmem:$0x1B700] =	vst v63  }
0x36: {  	v2 =	vld [tilespmem:s28+$0x13900];
	_ =	sdelay $0x4  }
0x37: {  	s29 =	simm.s32 $0x10;
	v11 =	vshrl.u32 v2, $0xE  }
0x38: {  	v4 =	vld [tilespmem:s29+$0x13900];
	_ =	sdelay $0x2  }
0x39: {  	v1 =	vld [tilespmem:s28+$0x17800]  }
0x3a: {  	s30 =	simm.s32 $0x20;
	v5 =	vld.idx.msk [tilespmem:v11+s4+$0x0], $0xffff  }
0x3b: {  	v8 =	vld [tilespmem:s30+$0x13900];
	v7 =	vshrl.u32 v4, $0xE  }
0x3c: {  	v3 =	vand.u32 $0x3FFF, v2  }
0x3d: {  	v6 =	vadd.s32 $0x2710, v11;
	_ =	sdelay $0x1  }
0x3e: {  	v2 =	vld [tilespmem:s29+$0x17800];
	v5 =	vmul.f32 v5, v1  }
0x3f: {  	v9 =	vshrl.u32 v8, $0xE;
	v10 =	vld.idx.msk [tilespmem:v7+s4+$0x0], $0xffff  }
0x40: {  	[tilespmem:v3+s16+$0x0] =	vst.idx.add.f32.msk $0xffff, v5  }
0x41: {  	v5 =	vand.u32 $0x3FFF, v4;
	v6 =	vld.idx.msk [tilespmem:v6+s4+$0x0], $0xffff  }
0x42: {  	s31 =	simm.s32 $0x30;
	v14 =	vadd.s32 $0x2710, v7  }
0x43: {  	v15 =	vld [tilespmem:s31+$0x13900];
	v12 =	vadd.s32 $0x2710, v3  }
0x44: {  	v16 =	vld.idx.msk [tilespmem:v9+s4+$0x0], $0xffff;
	v10 =	vmul.f32 v10, v2  }
0x45: {  	v13 =	vadd.s32 $0x4E20, v11;
	v4 =	vld [tilespmem:s30+$0x17800]  }
0x46: {  	[tilespmem:v5+s16+$0x0] =	vst.idx.add.f32.msk $0xffff, v10;
	v6 =	vmul.f32 v6, v1  }
0x47: {  	v14 =	vld.idx.msk [tilespmem:v14+s4+$0x0], $0xffff  }
0x48: {  	[tilespmem:v12+s16+$0x0] =	vst.idx.add.f32.msk $0xffff, v6;
	v6 =	vand.u32 $0x3FFF, v8  }
0x49: {  	v10 =	vshrl.u32 v15, $0xE  }
0x4a: {  	s21 =	simm.s32 $0x40;
	v21 =	vadd.s32 $0x2710, v5;
	v12 =	vld.idx.msk [tilespmem:v13+s4+$0x0], $0xffff  }
0x4b: {  	v18 =	vmul.f32 v16, v4;
	v16 =	vld [tilespmem:s21+$0x13900];
	v13 =	vadd.s32 $0x2710, v9  }
0x4c: {  	v17 =	vadd.s32 $0x4E20, v3;
	v8 =	vld [tilespmem:s31+$0x17800]  }
0x4d: {  	v22 =	vadd.s32 $0x7530, v11;
	v11 =	vmul.f32 v14, v2;
	[tilespmem:v6+s16+$0x0] =	vst.idx.add.f32.msk $0xffff, v18;
	v18 =	vadd.s32 $0x4E20, v7  }
0x4e: {  	v20 =	vld.idx.msk [tilespmem:v10+s4+$0x0], $0xffff  }
0x4f: {  	[tilespmem:v21+s16+$0x0] =	vst.idx.add.f32.msk $0xffff, v11;
	v12 =	vmul.f32 v12, v1  }
0x50: {  	v19 =	vld.idx.msk [tilespmem:v13+s4+$0x0], $0xffff  }
0x51: {  	v13 =	vand.u32 $0x3FFF, v15;
	[tilespmem:v17+s16+$0x0] =	vst.idx.add.f32.msk $0xffff, v12  }
0x52: {  	v11 =	vadd.s32 $0x4E20, v6;
	v21 =	vadd.s32 $0x2710, v10;
	v18 =	vld.idx.msk [tilespmem:v18+s4+$0x0], $0xffff  }
0x53: {  	s22 =	simm.s32 $0x140;
	v15 =	vadd.s32 $0x4E20, v13;
	v12 =	vadd.s32 $0x4E20, v5;
	v17 =	vshrl.u32 v16, $0xE;
	v14 =	vld.idx.msk [tilespmem:v22+s4+$0x0], $0xffff  }
.LBB2_7:
0x54: {  	p0 =	sne.s32 s22, $0x7CC0;
	v22 =	vld [tilespmem:s21+$0x17800];
	s21 =	sshra.s32 s22, $0x2;
	s22 =	sadd.s32 $0x40, s22;
	v20 =	vmul.f32 v20, v8  }
0x55: {  	v24 =	vadd.s32 $0x2710, v6;
	v23 =	vld [tilespmem:s21+$0x13900]  }
0x56: {  	v25 =	vadd.s32 $0x4E20, v9;
	[tilespmem:v13+s16+$0x0] =	vst.idx.add.f32.msk $0xffff, v20  }
0x57: {  	v27 =	vadd.s32 $0x7530, v3;
	v3 =	vmovc v5;
	v5 =	vmovc v6;
	v6 =	vmov v13;
	v18 =	vmul.f32 v18, v2;
	v26 =	vld.idx.msk [tilespmem:v21+s4+$0x0], $0xffff  }
0x58: {  	v13 =	vmul.f32 v19, v4;
	v19 =	vadd.s32 $0x7530, v7;
	v7 =	vmovc v9;
	v9 =	vmovc v10;
	v10 =	vmov v17;
	v20 =	vld.idx.msk [tilespmem:v17+s4+$0x0], $0xffff  }
.Ltmp2:
0x59: {  	[tilespmem:v12+s16+$0x0] =	vst.idx.add.f32.msk $0xffff, v18;
	v12 =	vmov v11;
	v11 =	vmov v15;
	(pc) =	sbr.rel @p0 .LBB2_7-.Ltmp2, $4  }
0x5a: {  	v14 =	vmul.f32 v14, v1;
	v1 =	vmovc v2;
	v2 =	vmov v4;
	v4 =	vmov v8;
	[tilespmem:v24+s16+$0x0] =	vst.idx.add.f32.msk $0xffff, v13  }
0x5b: {  	v8 =	vmov v22;
	v13 =	vand.u32 $0x3FFF, v16;
	v16 =	vmov v23;
	v18 =	vld.idx.msk [tilespmem:v25+s4+$0x0], $0xffff  }
0x5c: {  	v21 =	vadd.s32 $0x2710, v10;
	v15 =	vadd.s32 $0x4E20, v13;
	[tilespmem:v27+s16+$0x0] =	vst.idx.add.f32.msk $0xffff, v14  }
0x5d: {  	v17 =	vshrl.u32 v16, $0xE;
	v14 =	vld.idx.msk [tilespmem:v19+s4+$0x0], $0xffff;
	v19 =	vmov v26  }
0x5e: {  	_ =	sdelay $0x2  }
0x5f: {  	v22 =	vld [tilespmem:s21+$0x17800]  }
0x60: {  	v23 =	vld.idx.msk [tilespmem:v17+s4+$0x0], $0xffff;
	_ =	sdelay $0x1  }
0x61: {  	v16 =	vand.u32 $0x3FFF, v16  }
0x62: {  	v20 =	vmul.f32 v20, v8;
	v24 =	vadd.s32 $0x2710, v17;
	_ =	sdelay $0x1  }
0x63: {  	[tilespmem:v13+s16+$0x0] =	vst.idx.add.f32.msk $0xffff, v20;
	v20 =	vmul.f32 v23, v22  }
0x64: {  	v21 =	vld.idx.msk [tilespmem:v21+s4+$0x0], $0xffff;
	v23 =	vadd.s32 $0x2710, v6  }
0x65: {  	v25 =	vadd.s32 $0x4E20, v9;
	[tilespmem:v16+s16+$0x0] =	vst.idx.add.f32.msk $0xffff, v20  }
0x66: {  	v20 =	vadd.s32 $0x2710, v13;
	v24 =	vld.idx.msk [tilespmem:v24+s4+$0x0], $0xffff  }
0x67: {  	v19 =	vmul.f32 v19, v4;
	v26 =	vadd.s32 $0x4E20, v10  }
0x68: {  	v27 =	vadd.s32 $0x2710, v16  }
0x69: {  	[tilespmem:v23+s16+$0x0] =	vst.idx.add.f32.msk $0xffff, v19;
	v19 =	vmul.f32 v21, v8;
	v21 =	vadd.s32 $0x4E20, v17  }
0x6a: {  	v23 =	vld.idx.msk [tilespmem:v25+s4+$0x0], $0xffff  }
0x6b: {  	v7 =	vadd.s32 $0x7530, v7;
	[tilespmem:v20+s16+$0x0] =	vst.idx.add.f32.msk $0xffff, v19;
	v19 =	vmul.f32 v24, v22  }
0x6c: {  	v20 =	vld.idx.msk [tilespmem:v26+s4+$0x0], $0xffff  }
0x6d: {  	v9 =	vadd.s32 $0x7530, v9;
	v18 =	vmul.f32 v18, v2;
	[tilespmem:v27+s16+$0x0] =	vst.idx.add.f32.msk $0xffff, v19  }
0x6e: {  	v19 =	vld.idx.msk [tilespmem:v21+s4+$0x0], $0xffff  }
0x6f: {  	v10 =	vadd.s32 $0x7530, v10;
	[tilespmem:v12+s16+$0x0] =	vst.idx.add.f32.msk $0xffff, v18;
	v12 =	vmul.f32 v23, v4  }
0x70: {  	v18 =	vadd.s32 $0x4E20, v16;
	v7 =	vld.idx.msk [tilespmem:v7+s4+$0x0], $0xffff  }
0x71: {  	[tilespmem:v11+s16+$0x0] =	vst.idx.add.f32.msk $0xffff, v12;
	v11 =	vmul.f32 v20, v8;
	v12 =	vadd.s32 $0x7530, v17  }
0x72: {  	v9 =	vld.idx.msk [tilespmem:v9+s4+$0x0], $0xffff  }
0x73: {  	[tilespmem:v15+s16+$0x0] =	vst.idx.add.f32.msk $0xffff, v11;
	v11 =	vmul.f32 v19, v22  }
0x74: {  	v3 =	vadd.s32 $0x7530, v3;
	v10 =	vld.idx.msk [tilespmem:v10+s4+$0x0], $0xffff  }
0x75: {  	v5 =	vadd.s32 $0x7530, v5;
	[tilespmem:v18+s16+$0x0] =	vst.idx.add.f32.msk $0xffff, v11  }
0x76: {  	v6 =	vadd.s32 $0x7530, v6;
	v11 =	vld.idx.msk [tilespmem:v12+s4+$0x0], $0xffff  }
0x77: {  	v1 =	vmul.f32 v14, v1;
	v12 =	vadd.s32 $0x7530, v13  }
0x78: {  	v2 =	vmul.f32 v7, v2;
	v7 =	vadd.s32 $0x7530, v16  }
0x79: {  	[tilespmem:v3+s16+$0x0] =	vst.idx.add.f32.msk $0xffff, v1;
	v1 =	vmul.f32 v9, v4  }
0x7a: {  	[tilespmem:v5+s16+$0x0] =	vst.idx.add.f32.msk $0xffff, v2;
	v2 =	vmul.f32 v10, v8  }
0x7b: {  	p0 =	seq.s32 s20, $0x13;
	[tilespmem:v6+s16+$0x0] =	vst.idx.add.f32.msk $0xffff, v1;
	v1 =	vmul.f32 v11, v22  }
0x7c: {  	s21 =	sshll.u32 @!p0 s20, $0x1;
	[tilespmem:v12+s16+$0x0] =	vst.idx.add.f32.msk $0xffff, v2  }
0x7d: {  	s21 =	sadd.s32 @!p0 $0x2, s21;
	[tilespmem:v7+s16+$0x0] =	vst.idx.add.f32.msk $0xffff, v1  }
0x7e: {  	s22 =	sshrl.u32 @!p0 s21, $0x3;
	_ =	swait.ge [sflag:s17], $0x1F80  }
0x7f: {  	s21 =	sshll.u32 @!p0 s21, $0x7;
	s22 =	smul.u32 @!p0 $0xFC00, s22;
	[sflag:s17] =	ssyncset.done $0x0  }
0x80: {  	s21 =	sand.u32 @!p0 $0x300, s21;
	[sflag:s17] =	ssyncadd.s32 $0xFFFFE080  }
0x81: {  	s23 =	simm.s32 @!p0 $0x80;
	s21 =	sor.u32 @!p0 s21, s22;
	_ =	swait.ge [sflag:s17], $0x1F80  }
0x82: {  	s24 =	simm.s32 @!p0 $0x400;
	s21 =	sshrl.u32 @!p0 s21, $0x3;
	[sflag:s17] =	ssyncset.done $0x0  }
0x83: {  	s25 =	simm.s32 @!p0 $0x13900;
	s22 =	sadd.s32 @!p0 s1, s21;
	[sflag:s17] =	ssyncadd.s32 $0xFFFFE080  }
0x84: {  	[tilespmem:s25], [sflag:$0x2] =	stream.strided.gather @!p0 [hbm4b:s22+s23], $0x1F80, s24, s23, $0x38;
	[tilespmem:$0x1B700] =	vst v63  }
0x85: {  	s28 =	simm.s32 $0x0;
	s21 =	sadd.s32 @!p0 s2, s21;
	s22 =	simm.s32 @!p0 $0x17800  }
0x86: {  	[tilespmem:s22], [sflag:$0x2] =	stream.strided.gather @!p0 [hbm4b:s21+s23], $0x1F80, s24, s23, $0x38;
	[tilespmem:$0x1B700] =	vst v63  }
0x87: {  	v2 =	vld [tilespmem:s28+$0x15880];
	_ =	sdelay $0x4  }
0x88: {  	s29 =	simm.s32 $0x10;
	v11 =	vshrl.u32 v2, $0xE  }
0x89: {  	v4 =	vld [tilespmem:s29+$0x15880];
	_ =	sdelay $0x2  }
0x8a: {  	v1 =	vld [tilespmem:s28+$0x19780]  }
0x8b: {  	s30 =	simm.s32 $0x20;
	v5 =	vld.idx.msk [tilespmem:v11+s4+$0x0], $0xffff  }
0x8c: {  	v8 =	vld [tilespmem:s30+$0x15880];
	v7 =	vshrl.u32 v4, $0xE  }
0x8d: {  	v3 =	vand.u32 $0x3FFF, v2  }
0x8e: {  	v6 =	vadd.s32 $0x2710, v11;
	_ =	sdelay $0x1  }
0x8f: {  	v2 =	vld [tilespmem:s29+$0x19780];
	v5 =	vmul.f32 v5, v1  }
0x90: {  	v9 =	vshrl.u32 v8, $0xE;
	v10 =	vld.idx.msk [tilespmem:v7+s4+$0x0], $0xffff  }
0x91: {  	[tilespmem:v3+s16+$0x0] =	vst.idx.add.f32.msk $0xffff, v5  }
0x92: {  	v5 =	vand.u32 $0x3FFF, v4;
	v6 =	vld.idx.msk [tilespmem:v6+s4+$0x0], $0xffff  }
0x93: {  	s31 =	simm.s32 $0x30;
	v14 =	vadd.s32 $0x2710, v7  }
0x94: {  	v15 =	vld [tilespmem:s31+$0x15880];
	v12 =	vadd.s32 $0x2710, v3  }
0x95: {  	v16 =	vld.idx.msk [tilespmem:v9+s4+$0x0], $0xffff;
	v10 =	vmul.f32 v10, v2  }
0x96: {  	v13 =	vadd.s32 $0x4E20, v11;
	v4 =	vld [tilespmem:s30+$0x19780]  }
0x97: {  	[tilespmem:v5+s16+$0x0] =	vst.idx.add.f32.msk $0xffff, v10;
	v6 =	vmul.f32 v6, v1  }
0x98: {  	v14 =	vld.idx.msk [tilespmem:v14+s4+$0x0], $0xffff  }
0x99: {  	[tilespmem:v12+s16+$0x0] =	vst.idx.add.f32.msk $0xffff, v6;
	v6 =	vand.u32 $0x3FFF, v8  }
0x9a: {  	v10 =	vshrl.u32 v15, $0xE  }
0x9b: {  	s21 =	simm.s32 $0x40;
	v21 =	vadd.s32 $0x2710, v5;
	v12 =	vld.idx.msk [tilespmem:v13+s4+$0x0], $0xffff  }
0x9c: {  	v18 =	vmul.f32 v16, v4;
	v16 =	vld [tilespmem:s21+$0x15880];
	v13 =	vadd.s32 $0x2710, v9  }
0x9d: {  	v17 =	vadd.s32 $0x4E20, v3;
	v8 =	vld [tilespmem:s31+$0x19780]  }
0x9e: {  	v22 =	vadd.s32 $0x7530, v11;
	v11 =	vmul.f32 v14, v2;
	[tilespmem:v6+s16+$0x0] =	vst.idx.add.f32.msk $0xffff, v18;
	v18 =	vadd.s32 $0x4E20, v7  }
0x9f: {  	v20 =	vld.idx.msk [tilespmem:v10+s4+$0x0], $0xffff  }
0xa0: {  	[tilespmem:v21+s16+$0x0] =	vst.idx.add.f32.msk $0xffff, v11;
	v12 =	vmul.f32 v12, v1  }
0xa1: {  	v19 =	vld.idx.msk [tilespmem:v13+s4+$0x0], $0xffff  }
0xa2: {  	v13 =	vand.u32 $0x3FFF, v15;
	[tilespmem:v17+s16+$0x0] =	vst.idx.add.f32.msk $0xffff, v12  }
0xa3: {  	v11 =	vadd.s32 $0x4E20, v6;
	v21 =	vadd.s32 $0x2710, v10;
	v18 =	vld.idx.msk [tilespmem:v18+s4+$0x0], $0xffff  }
0xa4: {  	s22 =	simm.s32 $0x140;
	v15 =	vadd.s32 $0x4E20, v13;
	v12 =	vadd.s32 $0x4E20, v5;
	v17 =	vshrl.u32 v16, $0xE;
	v14 =	vld.idx.msk [tilespmem:v22+s4+$0x0], $0xffff  }
.LBB2_9:
0xa5: {  	p0 =	sne.s32 s22, $0x7CC0;
	v22 =	vld [tilespmem:s21+$0x19780];
	s21 =	sshra.s32 s22, $0x2;
	s22 =	sadd.s32 $0x40, s22;
	v20 =	vmul.f32 v20, v8  }
0xa6: {  	v24 =	vadd.s32 $0x2710, v6;
	v23 =	vld [tilespmem:s21+$0x15880]  }
0xa7: {  	v25 =	vadd.s32 $0x4E20, v9;
	[tilespmem:v13+s16+$0x0] =	vst.idx.add.f32.msk $0xffff, v20  }
0xa8: {  	v27 =	vadd.s32 $0x7530, v3;
	v3 =	vmovc v5;
	v5 =	vmovc v6;
	v6 =	vmov v13;
	v18 =	vmul.f32 v18, v2;
	v26 =	vld.idx.msk [tilespmem:v21+s4+$0x0], $0xffff  }
0xa9: {  	v13 =	vmul.f32 v19, v4;
	v19 =	vadd.s32 $0x7530, v7;
	v7 =	vmovc v9;
	v9 =	vmovc v10;
	v10 =	vmov v17;
	v20 =	vld.idx.msk [tilespmem:v17+s4+$0x0], $0xffff  }
.Ltmp3:
0xaa: {  	[tilespmem:v12+s16+$0x0] =	vst.idx.add.f32.msk $0xffff, v18;
	v12 =	vmov v11;
	v11 =	vmov v15;
	(pc) =	sbr.rel @p0 .LBB2_9-.Ltmp3, $4  }
0xab: {  	v14 =	vmul.f32 v14, v1;
	v1 =	vmovc v2;
	v2 =	vmov v4;
	v4 =	vmov v8;
	[tilespmem:v24+s16+$0x0] =	vst.idx.add.f32.msk $0xffff, v13  }
0xac: {  	v8 =	vmov v22;
	v13 =	vand.u32 $0x3FFF, v16;
	v16 =	vmov v23;
	v18 =	vld.idx.msk [tilespmem:v25+s4+$0x0], $0xffff  }
0xad: {  	v21 =	vadd.s32 $0x2710, v10;
	v15 =	vadd.s32 $0x4E20, v13;
	[tilespmem:v27+s16+$0x0] =	vst.idx.add.f32.msk $0xffff, v14  }
0xae: {  	v17 =	vshrl.u32 v16, $0xE;
	v14 =	vld.idx.msk [tilespmem:v19+s4+$0x0], $0xffff;
	v19 =	vmov v26  }
0xaf: {  	_ =	sdelay $0x2  }
0xb0: {  	v22 =	vld [tilespmem:s21+$0x19780]  }
0xb1: {  	v23 =	vld.idx.msk [tilespmem:v17+s4+$0x0], $0xffff;
	_ =	sdelay $0x1  }
0xb2: {  	v16 =	vand.u32 $0x3FFF, v16  }
0xb3: {  	v20 =	vmul.f32 v20, v8;
	v24 =	vadd.s32 $0x2710, v17;
	_ =	sdelay $0x1  }
0xb4: {  	[tilespmem:v13+s16+$0x0] =	vst.idx.add.f32.msk $0xffff, v20;
	v48 =	vmul.f32 v23, v22  }
0xb5: {  	v49 =	vadd.s32 $0x2710, v6;
	v21 =	vld.idx.msk [tilespmem:v21+s4+$0x0], $0xffff  }
0xb6: {  	v25 =	vadd.s32 $0x4E20, v9;
	[tilespmem:v16+s16+$0x0] =	vst.idx.add.f32.msk $0xffff, v48  }
0xb7: {  	v50 =	vadd.s32 $0x2710, v13;
	v24 =	vld.idx.msk [tilespmem:v24+s4+$0x0], $0xffff  }
0xb8: {  	v19 =	vmul.f32 v19, v4;
	v26 =	vadd.s32 $0x4E20, v10  }
0xb9: {  	v27 =	vadd.s32 $0x2710, v16  }
0xba: {  	v52 =	vadd.s32 $0x4E20, v17;
	[tilespmem:v49+s16+$0x0] =	vst.idx.add.f32.msk $0xffff, v19;
	v51 =	vmul.f32 v21, v8  }
0xbb: {  	v23 =	vld.idx.msk [tilespmem:v25+s4+$0x0], $0xffff  }
0xbc: {  	v7 =	vadd.s32 $0x7530, v7;
	[tilespmem:v50+s16+$0x0] =	vst.idx.add.f32.msk $0xffff, v51;
	v53 =	vmul.f32 v24, v22  }
0xbd: {  	v20 =	vld.idx.msk [tilespmem:v26+s4+$0x0], $0xffff  }
0xbe: {  	v54 =	vadd.s32 $0x7530, v9;
	v18 =	vmul.f32 v18, v2;
	[tilespmem:v27+s16+$0x0] =	vst.idx.add.f32.msk $0xffff, v53  }
0xbf: {  	v19 =	vld.idx.msk [tilespmem:v52+s4+$0x0], $0xffff  }
0xc0: {  	v56 =	vadd.s32 $0x7530, v10;
	[tilespmem:v12+s16+$0x0] =	vst.idx.add.f32.msk $0xffff, v18;
	v55 =	vmul.f32 v23, v4  }
0xc1: {  	v57 =	vadd.s32 $0x4E20, v16;
	v7 =	vld.idx.msk [tilespmem:v7+s4+$0x0], $0xffff  }
0xc2: {  	v59 =	vadd.s32 $0x7530, v17;
	[tilespmem:v11+s16+$0x0] =	vst.idx.add.f32.msk $0xffff, v55;
	v58 =	vmul.f32 v20, v8  }
0xc3: {  	v9 =	vld.idx.msk [tilespmem:v54+s4+$0x0], $0xffff  }
0xc4: {  	[tilespmem:v15+s16+$0x0] =	vst.idx.add.f32.msk $0xffff, v58;
	v60 =	vmul.f32 v19, v22  }
0xc5: {  	v3 =	vadd.s32 $0x7530, v3;
	v10 =	vld.idx.msk [tilespmem:v56+s4+$0x0], $0xffff  }
0xc6: {  	v5 =	vadd.s32 $0x7530, v5;
	[tilespmem:v57+s16+$0x0] =	vst.idx.add.f32.msk $0xffff, v60  }
0xc7: {  	v61 =	vadd.s32 $0x7530, v6;
	v11 =	vld.idx.msk [tilespmem:v59+s4+$0x0], $0xffff  }
0xc8: {  	v62 =	vadd.s32 $0x7530, v13;
	s20 =	sadd.s32 $0x1, s20;
	v1 =	vmul.f32 v14, v1  }
0xc9: {  	v63 =	vadd.s32 $0x7530, v16;
	p0 =	sne.s32 s20, $0x14;
	v2 =	vmul.f32 v7, v2  }
.Ltmp4:
0xca: {  	[tilespmem:v3+s16+$0x0] =	vst.idx.add.f32.msk $0xffff, v1;
	v1 =	vmul.f32 v9, v4;
	(pc) =	sbr.rel @p0 .LBB2_6-.Ltmp4, $4  }
0xcb: {  	[tilespmem:v5+s16+$0x0] =	vst.idx.add.f32.msk $0xffff, v2;
	v2 =	vmul.f32 v10, v8  }
0xcc: {  	[tilespmem:v61+s16+$0x0] =	vst.idx.add.f32.msk $0xffff, v1;
	v1 =	vmul.f32 v11, v22  }
0xcd: {  	[tilespmem:v62+s16+$0x0] =	vst.idx.add.f32.msk $0xffff, v2  }
0xce: {  	[tilespmem:v63+s16+$0x0] =	vst.idx.add.f32.msk $0xffff, v1  }
0xcf: {  	s19 =	sadd.s32 $0x1, s19  }
0xd0: {  	p0 =	sne.s32 s19, s7  }
.Ltmp5:
0xd1: {  	_ = 	snop;
	(pc) =	sbr.rel @p0 .LBB2_1-.Ltmp5, $4  }
0xd2: {  	[hbm4b:s6+s8] =	stream.strided.scatter [tilespmem:s16], [sflag:$0x4], $0x9C80, s9, s8, $0x38;
	[tilespmem:$0x1B700] =	vst v63  }
0xd3: {  	_ =	swait.ge [sflag:s18], $0x9C80  }
0xd4: {  	[sflag:s18] =	ssyncset.done $0x0  }
0xd5: {  	[sflag:s18] =	ssyncadd.s32 $0xFFFF6380  }
0xd6: {  	_ =	sfence.sel $0x180000  }
0xd7: {  	[bflag:$0x0] =	sbarrier.arrive $0xFFFF  }
0xd8: {  	p0 =	sne.s32 s0, $0x0;
	_ =	strace $0x90000047  }
0xd9: {  	s0 =	sadd.s32 @!p0 $0x100000, s3;
	[bflag:$0x2] =	sbarrier.arrive $0xFFFF  }
0xda: {  	[sflag:s0] =	ssyncadd.tile.s32 @!p0 $0x1;
	_ =	shalt  }
.Lfunc_end2:
_tile_overlayer_lowered:
.L_overlay_start_2:
0xdb: {  	(tag) =	ssettag $0x2  }
0xdc: {  	s0 =	rddreg [dreg:$0x0];
	s2 =	stileid.u32  }
0xdd: {  	s1 =	rddreg [dreg:$0x1];
	p0 =	sne.s32 s2, $0x0  }
0xde: {  	s3 =	rddreg [dreg:$0x2];
	[bflag:$0x3] =	sbarrier.arrive $0xFFFF;
	s2 =	simm.s32 @!p0 $0x1C04  }
0xdf: {  	[timem:s3], [sflag:s2] =	dma.local @!p0 [hbm:s0], s1  }
0xe0: {  	s0 =	simm.s32 @!p0 $0x4  }
0xe1: {  	_ =	swait.ge @!p0 [sflag:s0], s1  }
0xe2: {  	s1 =	ssub.s32 @!p0 $0x0, s1;
	[sflag:s0] =	ssyncset.done @!p0 $0x0  }
0xe3: {  	[sflag:s0] =	ssyncadd.s32 @!p0 s1  }
0xe4: {  	[bflag:$0x3] =	sbarrier.arrive $0xFFFF  }
0xe5: {  	_ =	shalt  }

</sc_bundles>
